<compile_context>
chip_gen: v7x
topology: tpu7x:2x2x1
jax: 0.10.2.dev20260603
libtpu: 0.0.44.dev20260713+nightly
codegen_flags: <defaults>
</compile_context>

<pallas_src>
import functools

import jax
import jax.numpy as jnp
from jax import lax
from jax.experimental import pallas as pl
from jax.experimental.pallas import tpu as pltpu
from jax.experimental.pallas import tpu_sc as plsc

B = 128
V = 100000
C = 0.1
VB = 25000
K = V // VB
NWORK = B // 16


def _sc_gather_body(target_hbm, predt_hbm, out_hbm, tgt_v, rows_v, diag_v, sem):
    wid = lax.axis_index("s") * 2 + lax.axis_index("c")

    @pl.when(wid < NWORK)
    def _():
        base = wid * 16
        pltpu.sync_copy(target_hbm.at[pl.ds(base, 16)], tgt_v)
        pltpu.async_copy(predt_hbm.at[tgt_v], rows_v, sem).wait()
        ii = lax.iota(jnp.int32, 16)
        d = jnp.full((16,), -C, jnp.float32)
        for l in range(16):
            vec = rows_v[l, pl.ds(base, 16)]
            d = jnp.where(ii == l, vec - C, d)
        diag_v[...] = d
        pltpu.sync_copy(diag_v, out_hbm.at[pl.ds(base, 16)])


_sc_gather = functools.partial(
    pl.kernel,
    mesh=plsc.VectorSubcoreMesh(core_axis_name="c", subcore_axis_name="s"),
    out_type=jax.ShapeDtypeStruct((B,), jnp.float32),
    scratch_types=[
        pltpu.VMEM((16,), jnp.int32),
        pltpu.VMEM((16, B), jnp.float32),
        pltpu.VMEM((16,), jnp.float32),
        pltpu.SemaphoreType.DMA,
    ],
    compiler_params=pltpu.CompilerParams(use_tc_tiling_on_sc=True),
)(_sc_gather_body)


def _tc_body(corrc_ref, pred_ref, out_ref, acc_ref):
    k = pl.program_id(0)
    s = jnp.sum(jnp.maximum(pred_ref[...] - corrc_ref[...], 0.0))

    @pl.when(k == 0)
    def _():
        acc_ref[0] = s

    @pl.when(k > 0)
    def _():
        acc_ref[0] += s

    @pl.when(k == K - 1)
    def _():
        out_ref[0] = (acc_ref[0] - B * C) / B


def kernel(target, prediction):
    target = target.astype(jnp.int32)
    predt = prediction.T
    corrc = _sc_gather(target, predt)
    out = pl.pallas_call(
        _tc_body,
        grid=(K,),
        in_specs=[
            pl.BlockSpec((1, B), lambda k: (0, 0)),
            pl.BlockSpec((VB, B), lambda k: (k, 0)),
        ],
        out_specs=pl.BlockSpec(memory_space=pltpu.SMEM),
        out_shape=jax.ShapeDtypeStruct((1,), jnp.float32),
        scratch_shapes=[pltpu.SMEM((1,), jnp.float32)],
    )(corrc.reshape(1, B), predt)
    return out

# --- scband reference (transcript-rebuilt; emitter-appended) ---
"""Pipeline reference for scband-glass-simple-loss-25606595019257 (READ-ONLY COPY).

The authoritative reference and input builder live on the scoring server;
editing this copy changes nothing except your own understanding.
"""

import jax, jax.numpy as jnp
import numpy as np

B = 128
V = 100000

def setup_inputs(seed: int = 0) -> dict:
    key = jax.random.key(seed)
    k1, k2 = jax.random.split(key)
    target = jax.random.randint(k1, (B,), 0, V, dtype=jnp.int64)
    prediction = jax.random.normal(k2, (B, V), dtype=jnp.float32)
    return {"target": target, "prediction": prediction}

def reference(target, prediction):
    c = 0.1
    # correct-class logit per row: prediction[i][target[i]]
    correct = jnp.take_along_axis(prediction, target[:, None].astype(jnp.int32), axis=1)  # [B, 1]
    l = jnp.maximum(prediction - correct + c, 0.0)
    # zero out the target-class entry in each row (it would otherwise contribute c)
    rows = jnp.arange(prediction.shape[0])
    l = l.at[rows, target].set(0.0)
    L = jnp.sum(l)
    out = (L / prediction.shape[0]).reshape((1,))
    return out

if __name__ == "__main__":
    import jax
    _d = setup_inputs()
    print(jax.jit(kernel)(*tuple(_d.values())))

</pallas_src>

<mosaic_0001>
#map = affine_map<(d0, d1) -> (0)>
#map1 = affine_map<(d0, d1) -> (0, 0)>
module attributes {stable_mosaic.version = 14 : i64} {
  func.func @_sc_gather_body(%arg0: i32, %arg1: i32, %arg2: memref<128xi32, #tpu.memory_space<hbm>>, %arg3: memref<100000x128xf32, #tpu.memory_space<hbm>>, %arg4: memref<128xf32, #tpu.memory_space<hbm>>, %arg5: memref<16xi32, #tpu.memory_space<vmem>>, %arg6: memref<16x128xf32, #tpu.memory_space<vmem>>, %arg7: memref<16xf32, #tpu.memory_space<vmem>>, %arg8: memref<!tpu.dma_semaphore, #tpu.memory_space<semaphore_mem>>) attributes {dimension_semantics = [#tpu.dimension_semantics<core_parallel>, #tpu.dimension_semantics<subcore_parallel>], iteration_bounds = array<i64: 2, 16>, scalar_prefetch = 0 : i64, scratch_operands = 4 : i64, tpu.core_type = #tpu.core_type<sc_vector_subcore>, window_params = [{transform_indices = #map}, {transform_indices = #map1}, {transform_indices = #map}]} {
    %mul3A = arith.constant 2 : i32
    %mul3A_0 = arith.muli %arg1, %mul3A : i32
    %add3A = arith.addi %mul3A_0, %arg0 : i32
    %lt3A = arith.constant 8 : i32
    %lt3A_1 = arith.cmpi slt, %add3A, %lt3A : i32
    %convert_element_type3A = arith.extui %lt3A_1 : i1 to i32
    %cond3A = arith.constant 0 : i32
    %cond3A_2 = arith.cmpi ne, %convert_element_type3A, %cond3A : i32
    scf.if %cond3A_2 {
      %mul3A_3 = arith.constant 16 : i32
      %mul3A_4 = arith.muli %add3A, %mul3A_3 : i32
      "tpu.region"() ({
        %run_scoped3A = tpu.sem_alloc : memref<!tpu.dma_semaphore, #tpu.memory_space<semaphore_mem>>
        %dma_start3A_201 = tpu.memref_slice %arg2[%mul3A_4] : memref<128xi32, #tpu.memory_space<hbm>> -> memref<16xi32, #tpu.memory_space<hbm>>
        %dma_start3A_202 = tpu.memref_slice %arg2[%mul3A_4] : memref<128xi32, #tpu.memory_space<hbm>> -> memref<16xi32, #tpu.memory_space<hbm>>
        tpu.enqueue_dma source(%dma_start3A_202 : memref<16xi32, #tpu.memory_space<hbm>>) target(%arg5 : memref<16xi32, #tpu.memory_space<vmem>>) target_semaphore(%run_scoped3A : memref<!tpu.dma_semaphore, #tpu.memory_space<semaphore_mem>>)
        %dma_wait3A_203 = tpu.memref_slice %arg2[%mul3A_4] : memref<128xi32, #tpu.memory_space<hbm>> -> memref<16xi32, #tpu.memory_space<hbm>>
        %dma_wait3A_204 = tpu.memref_slice %arg2[%mul3A_4] : memref<128xi32, #tpu.memory_space<hbm>> -> memref<16xi32, #tpu.memory_space<hbm>>
        tpu.wait_dma2 semaphore(%run_scoped3A : memref<!tpu.dma_semaphore, #tpu.memory_space<semaphore_mem>>) src(%dma_wait3A_204 : memref<16xi32, #tpu.memory_space<hbm>>) dst(%arg5 : memref<16xi32, #tpu.memory_space<vmem>>)
        tpu.yield
      }) : () -> ()
      %dma_start3A = arith.constant 0 : i32
      %dma_start3A_5 = arith.constant 0 : i32
      %dma_start3A_6 = tpu.memref_slice %arg3[%dma_start3A, %dma_start3A_5] : memref<100000x128xf32, #tpu.memory_space<hbm>> -> memref<100000x128xf32, #tpu.memory_space<hbm>>
      tpu.enqueue_indirect_dma source(%dma_start3A_6 : memref<100000x128xf32, #tpu.memory_space<hbm>>) target(%arg6 : memref<16x128xf32, #tpu.memory_space<vmem>>) offsets(%arg5 : memref<16xi32, #tpu.memory_space<vmem>>) semaphore(%arg8 : memref<!tpu.dma_semaphore, #tpu.memory_space<semaphore_mem>>)
      %dma_wait3A = arith.constant 0 : i32
      %dma_wait3A_7 = arith.constant 0 : i32
      %dma_wait3A_8 = tpu.memref_slice %arg3[%dma_wait3A, %dma_wait3A_7] : memref<100000x128xf32, #tpu.memory_space<hbm>> -> memref<100000x128xf32, #tpu.memory_space<hbm>>
      tpu.wait_indirect_dma semaphore(%arg8 : memref<!tpu.dma_semaphore, #tpu.memory_space<semaphore_mem>>) src(%dma_wait3A_8 : memref<100000x128xf32, #tpu.memory_space<hbm>>) dst(%arg6 : memref<16x128xf32, #tpu.memory_space<vmem>>)
      %iota3A = tpu.iota {dimensions = array<i32: 0>} : vector<16xi32>
      %broadcast_in_dim3A = arith.constant -1.000000e-01 : f32
      %broadcast_in_dim3A_9 = vector.broadcast %broadcast_in_dim3A : f32 to vector<16xf32>
      %get3A = arith.constant 0 : i32
      %get3A_10 = arith.index_cast %get3A : i32 to index
      %get3A_11 = arith.index_cast %mul3A_4 : i32 to index
      %get3A_12 = tpu.vector_load %arg6[%get3A_10, %get3A_11] {strides = array<i32>} : memref<16x128xf32, #tpu.memory_space<vmem>>, vector<1x16xf32>,
      %get3A_13 = vector.shape_cast %get3A_12 : vector<1x16xf32> to vector<16xf32>
      %eq3A = arith.constant 0 : i32
      %eq3A_14 = vector.broadcast %eq3A : i32 to vector<16xi32>
      %eq3A_15 = arith.cmpi eq, %iota3A, %eq3A_14 : vector<16xi32>
      %sub3A = arith.constant 1.000000e-01 : f32
      %sub3A_16 = vector.broadcast %sub3A : f32 to vector<16xf32>
      %sub3A_17 = arith.subf %get3A_13, %sub3A_16 : vector<16xf32>
      %select_n3A = arith.select %eq3A_15, %sub3A_17, %broadcast_in_dim3A_9 : vector<16xi1>, vector<16xf32>
      %get3A_18 = arith.constant 1 : i32
      %get3A_19 = arith.index_cast %get3A_18 : i32 to index
      %get3A_20 = arith.index_cast %mul3A_4 : i32 to index
      %get3A_21 = tpu.vector_load %arg6[%get3A_19, %get3A_20] {strides = array<i32>} : memref<16x128xf32, #tpu.memory_space<vmem>>, vector<1x16xf32>,
      %get3A_22 = vector.shape_cast %get3A_21 : vector<1x16xf32> to vector<16xf32>
      %eq3A_23 = arith.constant 1 : i32
      %eq3A_24 = vector.broadcast %eq3A_23 : i32 to vector<16xi32>
      %eq3A_25 = arith.cmpi eq, %iota3A, %eq3A_24 : vector<16xi32>
      %sub3A_26 = arith.constant 1.000000e-01 : f32
      %sub3A_27 = vector.broadcast %sub3A_26 : f32 to vector<16xf32>
      %sub3A_28 = arith.subf %get3A_22, %sub3A_27 : vector<16xf32>
      %select_n3A_29 = arith.select %eq3A_25, %sub3A_28, %select_n3A : vector<16xi1>, vector<16xf32>
      %get3A_30 = arith.constant 2 : i32
      %get3A_31 = arith.index_cast %get3A_30 : i32 to index
      %get3A_32 = arith.index_cast %mul3A_4 : i32 to index
      %get3A_33 = tpu.vector_load %arg6[%get3A_31, %get3A_32] {strides = array<i32>} : memref<16x128xf32, #tpu.memory_space<vmem>>, vector<1x16xf32>,
      %get3A_34 = vector.shape_cast %get3A_33 : vector<1x16xf32> to vector<16xf32>
      %eq3A_35 = arith.constant 2 : i32
      %eq3A_36 = vector.broadcast %eq3A_35 : i32 to vector<16xi32>
      %eq3A_37 = arith.cmpi eq, %iota3A, %eq3A_36 : vector<16xi32>
      %sub3A_38 = arith.constant 1.000000e-01 : f32
      %sub3A_39 = vector.broadcast %sub3A_38 : f32 to vector<16xf32>
      %sub3A_40 = arith.subf %get3A_34, %sub3A_39 : vector<16xf32>
      %select_n3A_41 = arith.select %eq3A_37, %sub3A_40, %select_n3A_29 : vector<16xi1>, vector<16xf32>
      %get3A_42 = arith.constant 3 : i32
      %get3A_43 = arith.index_cast %get3A_42 : i32 to index
      %get3A_44 = arith.index_cast %mul3A_4 : i32 to index
      %get3A_45 = tpu.vector_load %arg6[%get3A_43, %get3A_44] {strides = array<i32>} : memref<16x128xf32, #tpu.memory_space<vmem>>, vector<1x16xf32>,
      %get3A_46 = vector.shape_cast %get3A_45 : vector<1x16xf32> to vector<16xf32>
      %eq3A_47 = arith.constant 3 : i32
      %eq3A_48 = vector.broadcast %eq3A_47 : i32 to vector<16xi32>
      %eq3A_49 = arith.cmpi eq, %iota3A, %eq3A_48 : vector<16xi32>
      %sub3A_50 = arith.constant 1.000000e-01 : f32
      %sub3A_51 = vector.broadcast %sub3A_50 : f32 to vector<16xf32>
      %sub3A_52 = arith.subf %get3A_46, %sub3A_51 : vector<16xf32>
      %select_n3A_53 = arith.select %eq3A_49, %sub3A_52, %select_n3A_41 : vector<16xi1>, vector<16xf32>
      %get3A_54 = arith.constant 4 : i32
      %get3A_55 = arith.index_cast %get3A_54 : i32 to index
      %get3A_56 = arith.index_cast %mul3A_4 : i32 to index
      %get3A_57 = tpu.vector_load %arg6[%get3A_55, %get3A_56] {strides = array<i32>} : memref<16x128xf32, #tpu.memory_space<vmem>>, vector<1x16xf32>,
      %get3A_58 = vector.shape_cast %get3A_57 : vector<1x16xf32> to vector<16xf32>
      %eq3A_59 = arith.constant 4 : i32
      %eq3A_60 = vector.broadcast %eq3A_59 : i32 to vector<16xi32>
      %eq3A_61 = arith.cmpi eq, %iota3A, %eq3A_60 : vector<16xi32>
      %sub3A_62 = arith.constant 1.000000e-01 : f32
      %sub3A_63 = vector.broadcast %sub3A_62 : f32 to vector<16xf32>
      %sub3A_64 = arith.subf %get3A_58, %sub3A_63 : vector<16xf32>
      %select_n3A_65 = arith.select %eq3A_61, %sub3A_64, %select_n3A_53 : vector<16xi1>, vector<16xf32>
      %get3A_66 = arith.constant 5 : i32
      %get3A_67 = arith.index_cast %get3A_66 : i32 to index
      %get3A_68 = arith.index_cast %mul3A_4 : i32 to index
      %get3A_69 = tpu.vector_load %arg6[%get3A_67, %get3A_68] {strides = array<i32>} : memref<16x128xf32, #tpu.memory_space<vmem>>, vector<1x16xf32>,
      %get3A_70 = vector.shape_cast %get3A_69 : vector<1x16xf32> to vector<16xf32>
      %eq3A_71 = arith.constant 5 : i32
      %eq3A_72 = vector.broadcast %eq3A_71 : i32 to vector<16xi32>
      %eq3A_73 = arith.cmpi eq, %iota3A, %eq3A_72 : vector<16xi32>
      %sub3A_74 = arith.constant 1.000000e-01 : f32
      %sub3A_75 = vector.broadcast %sub3A_74 : f32 to vector<16xf32>
      %sub3A_76 = arith.subf %get3A_70, %sub3A_75 : vector<16xf32>
      %select_n3A_77 = arith.select %eq3A_73, %sub3A_76, %select_n3A_65 : vector<16xi1>, vector<16xf32>
      %get3A_78 = arith.constant 6 : i32
      %get3A_79 = arith.index_cast %get3A_78 : i32 to index
      %get3A_80 = arith.index_cast %mul3A_4 : i32 to index
      %get3A_81 = tpu.vector_load %arg6[%get3A_79, %get3A_80] {strides = array<i32>} : memref<16x128xf32, #tpu.memory_space<vmem>>, vector<1x16xf32>,
      %get3A_82 = vector.shape_cast %get3A_81 : vector<1x16xf32> to vector<16xf32>
      %eq3A_83 = arith.constant 6 : i32
      %eq3A_84 = vector.broadcast %eq3A_83 : i32 to vector<16xi32>
      %eq3A_85 = arith.cmpi eq, %iota3A, %eq3A_84 : vector<16xi32>
      %sub3A_86 = arith.constant 1.000000e-01 : f32
      %sub3A_87 = vector.broadcast %sub3A_86 : f32 to vector<16xf32>
      %sub3A_88 = arith.subf %get3A_82, %sub3A_87 : vector<16xf32>
      %select_n3A_89 = arith.select %eq3A_85, %sub3A_88, %select_n3A_77 : vector<16xi1>, vector<16xf32>
      %get3A_90 = arith.constant 7 : i32
      %get3A_91 = arith.index_cast %get3A_90 : i32 to index
      %get3A_92 = arith.index_cast %mul3A_4 : i32 to index
      %get3A_93 = tpu.vector_load %arg6[%get3A_91, %get3A_92] {strides = array<i32>} : memref<16x128xf32, #tpu.memory_space<vmem>>, vector<1x16xf32>,
      %get3A_94 = vector.shape_cast %get3A_93 : vector<1x16xf32> to vector<16xf32>
      %eq3A_95 = arith.constant 7 : i32
      %eq3A_96 = vector.broadcast %eq3A_95 : i32 to vector<16xi32>
      %eq3A_97 = arith.cmpi eq, %iota3A, %eq3A_96 : vector<16xi32>
      %sub3A_98 = arith.constant 1.000000e-01 : f32
      %sub3A_99 = vector.broadcast %sub3A_98 : f32 to vector<16xf32>
      %sub3A_100 = arith.subf %get3A_94, %sub3A_99 : vector<16xf32>
      %select_n3A_101 = arith.select %eq3A_97, %sub3A_100, %select_n3A_89 : vector<16xi1>, vector<16xf32>
      %get3A_102 = arith.constant 8 : i32
      %get3A_103 = arith.index_cast %get3A_102 : i32 to index
      %get3A_104 = arith.index_cast %mul3A_4 : i32 to index
      %get3A_105 = tpu.vector_load %arg6[%get3A_103, %get3A_104] {strides = array<i32>} : memref<16x128xf32, #tpu.memory_space<vmem>>, vector<1x16xf32>,
      %get3A_106 = vector.shape_cast %get3A_105 : vector<1x16xf32> to vector<16xf32>
      %eq3A_107 = arith.constant 8 : i32
      %eq3A_108 = vector.broadcast %eq3A_107 : i32 to vector<16xi32>
      %eq3A_109 = arith.cmpi eq, %iota3A, %eq3A_108 : vector<16xi32>
      %sub3A_110 = arith.constant 1.000000e-01 : f32
      %sub3A_111 = vector.broadcast %sub3A_110 : f32 to vector<16xf32>
      %sub3A_112 = arith.subf %get3A_106, %sub3A_111 : vector<16xf32>
      %select_n3A_113 = arith.select %eq3A_109, %sub3A_112, %select_n3A_101 : vector<16xi1>, vector<16xf32>
      %get3A_114 = arith.constant 9 : i32
      %get3A_115 = arith.index_cast %get3A_114 : i32 to index
      %get3A_116 = arith.index_cast %mul3A_4 : i32 to index
      %get3A_117 = tpu.vector_load %arg6[%get3A_115, %get3A_116] {strides = array<i32>} : memref<16x128xf32, #tpu.memory_space<vmem>>, vector<1x16xf32>,
      %get3A_118 = vector.shape_cast %get3A_117 : vector<1x16xf32> to vector<16xf32>
      %eq3A_119 = arith.constant 9 : i32
      %eq3A_120 = vector.broadcast %eq3A_119 : i32 to vector<16xi32>
      %eq3A_121 = arith.cmpi eq, %iota3A, %eq3A_120 : vector<16xi32>
      %sub3A_122 = arith.constant 1.000000e-01 : f32
      %sub3A_123 = vector.broadcast %sub3A_122 : f32 to vector<16xf32>
      %sub3A_124 = arith.subf %get3A_118, %sub3A_123 : vector<16xf32>
      %select_n3A_125 = arith.select %eq3A_121, %sub3A_124, %select_n3A_113 : vector<16xi1>, vector<16xf32>
      %get3A_126 = arith.constant 10 : i32
      %get3A_127 = arith.index_cast %get3A_126 : i32 to index
      %get3A_128 = arith.index_cast %mul3A_4 : i32 to index
      %get3A_129 = tpu.vector_load %arg6[%get3A_127, %get3A_128] {strides = array<i32>} : memref<16x128xf32, #tpu.memory_space<vmem>>, vector<1x16xf32>,
      %get3A_130 = vector.shape_cast %get3A_129 : vector<1x16xf32> to vector<16xf32>
      %eq3A_131 = arith.constant 10 : i32
      %eq3A_132 = vector.broadcast %eq3A_131 : i32 to vector<16xi32>
      %eq3A_133 = arith.cmpi eq, %iota3A, %eq3A_132 : vector<16xi32>
      %sub3A_134 = arith.constant 1.000000e-01 : f32
      %sub3A_135 = vector.broadcast %sub3A_134 : f32 to vector<16xf32>
      %sub3A_136 = arith.subf %get3A_130, %sub3A_135 : vector<16xf32>
      %select_n3A_137 = arith.select %eq3A_133, %sub3A_136, %select_n3A_125 : vector<16xi1>, vector<16xf32>
      %get3A_138 = arith.constant 11 : i32
      %get3A_139 = arith.index_cast %get3A_138 : i32 to index
      %get3A_140 = arith.index_cast %mul3A_4 : i32 to index
      %get3A_141 = tpu.vector_load %arg6[%get3A_139, %get3A_140] {strides = array<i32>} : memref<16x128xf32, #tpu.memory_space<vmem>>, vector<1x16xf32>,
      %get3A_142 = vector.shape_cast %get3A_141 : vector<1x16xf32> to vector<16xf32>
      %eq3A_143 = arith.constant 11 : i32
      %eq3A_144 = vector.broadcast %eq3A_143 : i32 to vector<16xi32>
      %eq3A_145 = arith.cmpi eq, %iota3A, %eq3A_144 : vector<16xi32>
      %sub3A_146 = arith.constant 1.000000e-01 : f32
      %sub3A_147 = vector.broadcast %sub3A_146 : f32 to vector<16xf32>
      %sub3A_148 = arith.subf %get3A_142, %sub3A_147 : vector<16xf32>
      %select_n3A_149 = arith.select %eq3A_145, %sub3A_148, %select_n3A_137 : vector<16xi1>, vector<16xf32>
      %get3A_150 = arith.constant 12 : i32
      %get3A_151 = arith.index_cast %get3A_150 : i32 to index
      %get3A_152 = arith.index_cast %mul3A_4 : i32 to index
      %get3A_153 = tpu.vector_load %arg6[%get3A_151, %get3A_152] {strides = array<i32>} : memref<16x128xf32, #tpu.memory_space<vmem>>, vector<1x16xf32>,
      %get3A_154 = vector.shape_cast %get3A_153 : vector<1x16xf32> to vector<16xf32>
      %eq3A_155 = arith.constant 12 : i32
      %eq3A_156 = vector.broadcast %eq3A_155 : i32 to vector<16xi32>
      %eq3A_157 = arith.cmpi eq, %iota3A, %eq3A_156 : vector<16xi32>
      %sub3A_158 = arith.constant 1.000000e-01 : f32
      %sub3A_159 = vector.broadcast %sub3A_158 : f32 to vector<16xf32>
      %sub3A_160 = arith.subf %get3A_154, %sub3A_159 : vector<16xf32>
      %select_n3A_161 = arith.select %eq3A_157, %sub3A_160, %select_n3A_149 : vector<16xi1>, vector<16xf32>
      %get3A_162 = arith.constant 13 : i32
      %get3A_163 = arith.index_cast %get3A_162 : i32 to index
      %get3A_164 = arith.index_cast %mul3A_4 : i32 to index
      %get3A_165 = tpu.vector_load %arg6[%get3A_163, %get3A_164] {strides = array<i32>} : memref<16x128xf32, #tpu.memory_space<vmem>>, vector<1x16xf32>,
      %get3A_166 = vector.shape_cast %get3A_165 : vector<1x16xf32> to vector<16xf32>
      %eq3A_167 = arith.constant 13 : i32
      %eq3A_168 = vector.broadcast %eq3A_167 : i32 to vector<16xi32>
      %eq3A_169 = arith.cmpi eq, %iota3A, %eq3A_168 : vector<16xi32>
      %sub3A_170 = arith.constant 1.000000e-01 : f32
      %sub3A_171 = vector.broadcast %sub3A_170 : f32 to vector<16xf32>
      %sub3A_172 = arith.subf %get3A_166, %sub3A_171 : vector<16xf32>
      %select_n3A_173 = arith.select %eq3A_169, %sub3A_172, %select_n3A_161 : vector<16xi1>, vector<16xf32>
      %get3A_174 = arith.constant 14 : i32
      %get3A_175 = arith.index_cast %get3A_174 : i32 to index
      %get3A_176 = arith.index_cast %mul3A_4 : i32 to index
      %get3A_177 = tpu.vector_load %arg6[%get3A_175, %get3A_176] {strides = array<i32>} : memref<16x128xf32, #tpu.memory_space<vmem>>, vector<1x16xf32>,
      %get3A_178 = vector.shape_cast %get3A_177 : vector<1x16xf32> to vector<16xf32>
      %eq3A_179 = arith.constant 14 : i32
      %eq3A_180 = vector.broadcast %eq3A_179 : i32 to vector<16xi32>
      %eq3A_181 = arith.cmpi eq, %iota3A, %eq3A_180 : vector<16xi32>
      %sub3A_182 = arith.constant 1.000000e-01 : f32
      %sub3A_183 = vector.broadcast %sub3A_182 : f32 to vector<16xf32>
      %sub3A_184 = arith.subf %get3A_178, %sub3A_183 : vector<16xf32>
      %select_n3A_185 = arith.select %eq3A_181, %sub3A_184, %select_n3A_173 : vector<16xi1>, vector<16xf32>
      %get3A_186 = arith.constant 15 : i32
      %get3A_187 = arith.index_cast %get3A_186 : i32 to index
      %get3A_188 = arith.index_cast %mul3A_4 : i32 to index
      %get3A_189 = tpu.vector_load %arg6[%get3A_187, %get3A_188] {strides = array<i32>} : memref<16x128xf32, #tpu.memory_space<vmem>>, vector<1x16xf32>,
      %get3A_190 = vector.shape_cast %get3A_189 : vector<1x16xf32> to vector<16xf32>
      %eq3A_191 = arith.constant 15 : i32
      %eq3A_192 = vector.broadcast %eq3A_191 : i32 to vector<16xi32>
      %eq3A_193 = arith.cmpi eq, %iota3A, %eq3A_192 : vector<16xi32>
      %sub3A_194 = arith.constant 1.000000e-01 : f32
      %sub3A_195 = vector.broadcast %sub3A_194 : f32 to vector<16xf32>
      %sub3A_196 = arith.subf %get3A_190, %sub3A_195 : vector<16xf32>
      %select_n3A_197 = arith.select %eq3A_193, %sub3A_196, %select_n3A_185 : vector<16xi1>, vector<16xf32>
      %swap3A = arith.constant 0 : index
      %swap3A_198 = tpu.vector_load %arg7[%swap3A] {strides = array<i32>} : memref<16xf32, #tpu.memory_space<vmem>>, vector<16xf32>,
      %swap3A_199 = vector.shape_cast %swap3A_198 : vector<16xf32> to vector<16xf32>
      %swap3A_200 = vector.shape_cast %select_n3A_197 : vector<16xf32> to vector<16xf32>
      tpu.vector_store %arg7[%swap3A], %swap3A_200 {strides = array<i32>} : memref<16xf32, #tpu.memory_space<vmem>>, vector<16xf32>,
      "tpu.region"() ({
        %run_scoped3A = tpu.sem_alloc : memref<!tpu.dma_semaphore, #tpu.memory_space<semaphore_mem>>
        %dma_start3A_201 = tpu.memref_slice %arg4[%mul3A_4] : memref<128xf32, #tpu.memory_space<hbm>> -> memref<16xf32, #tpu.memory_space<hbm>>
        %dma_start3A_202 = tpu.memref_slice %arg4[%mul3A_4] : memref<128xf32, #tpu.memory_space<hbm>> -> memref<16xf32, #tpu.memory_space<hbm>>
        tpu.enqueue_dma source(%arg7 : memref<16xf32, #tpu.memory_space<vmem>>) target(%dma_start3A_202 : memref<16xf32, #tpu.memory_space<hbm>>) target_semaphore(%run_scoped3A : memref<!tpu.dma_semaphore, #tpu.memory_space<semaphore_mem>>)
        %dma_wait3A_203 = tpu.memref_slice %arg4[%mul3A_4] : memref<128xf32, #tpu.memory_space<hbm>> -> memref<16xf32, #tpu.memory_space<hbm>>
        %dma_wait3A_204 = tpu.memref_slice %arg4[%mul3A_4] : memref<128xf32, #tpu.memory_space<hbm>> -> memref<16xf32, #tpu.memory_space<hbm>>
        tpu.wait_dma2 semaphore(%run_scoped3A : memref<!tpu.dma_semaphore, #tpu.memory_space<semaphore_mem>>) src(%arg7 : memref<16xf32, #tpu.memory_space<vmem>>) dst(%dma_wait3A_204 : memref<16xf32, #tpu.memory_space<hbm>>)
        tpu.yield
      }) : () -> ()
    } else {
    }
    return
  }
}

module attributes {stable_mosaic.version = 14 : i64} {
  func.func @_tc_body(%arg0: i32, %arg1: memref<1x128xf32, #tpu.memory_space<vmem>>, %arg2: memref<25000x128xf32, #tpu.memory_space<vmem>>, %arg3: memref<1xf32, #tpu.memory_space<smem>>, %arg4: memref<1xf32, #tpu.memory_space<smem>>) attributes {dimension_semantics = [#tpu.dimension_semantics<arbitrary>], iteration_bounds = array<i64: 4>, scalar_prefetch = 0 : i64, scratch_operands = 1 : i64, tpu.core_type = #tpu.core_type<tc>, window_params = [{pipeline_mode = #tpu.pipeline_mode<synchronous>, transform_indices = @transform_0, window_bounds = array<i64: 1, 128>}, {transform_indices = @transform_1, window_bounds = array<i64: 25000, 128>}, {transform_indices = @transform_2, window_bounds = array<i64: 1>}]} {
    %get3A = arith.constant 0 : index
    %get3A_0 = arith.constant 0 : index
    %get3A_1 = vector.load %arg2[%get3A, %get3A_0] : memref<25000x128xf32, #tpu.memory_space<vmem>>, vector<25000x128xf32>
    %get3A_2 = arith.constant 0 : index
    %get3A_3 = arith.constant 0 : index
    %get3A_4 = vector.load %arg1[%get3A_2, %get3A_3] : memref<1x128xf32, #tpu.memory_space<vmem>>, vector<1x128xf32>
    %sub3A = vector.broadcast %get3A_4 : vector<1x128xf32> to vector<25000x128xf32>
    %sub3A_5 = arith.subf %get3A_1, %sub3A : vector<25000x128xf32>
    %max3A = arith.constant 0.000000e+00 : f32
    %max3A_6 = vector.broadcast %max3A : f32 to vector<25000x128xf32>
    %max3A_7 = arith.maximumf %sub3A_5, %max3A_6 : vector<25000x128xf32>
    %reduce_sum3A = vector.shape_cast %max3A_7 : vector<25000x128xf32> to vector<1x25000x128xf32>
    %reduce_sum3A_8 = arith.constant dense<0.000000e+00> : vector<1xf32>
    %reduce_sum3A_9 = vector.multi_reduction <add>, %reduce_sum3A, %reduce_sum3A_8 [1, 2] : vector<1x25000x128xf32> to vector<1xf32>
    %reduce_sum3A_10 = vector.shape_cast %reduce_sum3A_9 : vector<1xf32> to vector<1x1x1xf32>
    %reduce_sum3A_11 = vector.extract %reduce_sum3A_10[0, 0, 0] : f32 from vector<1x1x1xf32>
    %eq3A = arith.constant 0 : i32
    %eq3A_12 = arith.cmpi eq, %arg0, %eq3A : i32
    %convert_element_type3A = arith.extui %eq3A_12 : i1 to i32
    %cond3A = arith.constant 0 : i32
    %cond3A_13 = arith.cmpi ne, %convert_element_type3A, %cond3A : i32
    scf.if %cond3A_13 {
      %swap3A = arith.constant 0 : index
      %swap3A_23 = memref.load %arg4[%swap3A] : memref<1xf32, #tpu.memory_space<smem>>
      memref.store %reduce_sum3A_11, %arg4[%swap3A] : memref<1xf32, #tpu.memory_space<smem>>
    } else {
    }
    %gt3A = arith.constant 0 : i32
    %gt3A_14 = arith.cmpi sgt, %arg0, %gt3A : i32
    %convert_element_type3A_15 = arith.extui %gt3A_14 : i1 to i32
    %cond3A_16 = arith.constant 0 : i32
    %cond3A_17 = arith.cmpi ne, %convert_element_type3A_15, %cond3A_16 : i32
    scf.if %cond3A_17 {
      %get3A_23 = arith.constant 0 : index
      %get3A_24 = memref.load %arg4[%get3A_23] : memref<1xf32, #tpu.memory_space<smem>>
      %add3A = arith.addf %get3A_24, %reduce_sum3A_11 : f32
      %swap3A = arith.constant 0 : index
      %swap3A_25 = memref.load %arg4[%swap3A] : memref<1xf32, #tpu.memory_space<smem>>
      memref.store %add3A, %arg4[%swap3A] : memref<1xf32, #tpu.memory_space<smem>>
    } else {
    }
    %eq3A_18 = arith.constant 3 : i32
    %eq3A_19 = arith.cmpi eq, %arg0, %eq3A_18 : i32
    %convert_element_type3A_20 = arith.extui %eq3A_19 : i1 to i32
    %cond3A_21 = arith.constant 0 : i32
    %cond3A_22 = arith.cmpi ne, %convert_element_type3A_20, %cond3A_21 : i32
    scf.if %cond3A_22 {
      %get3A_23 = arith.constant 0 : index
      %get3A_24 = memref.load %arg4[%get3A_23] : memref<1xf32, #tpu.memory_space<smem>>
      %sub3A_25 = arith.constant 1.280000e+01 : f32
      %sub3A_26 = arith.subf %get3A_24, %sub3A_25 : f32
      %div3A = arith.constant 1.280000e+02 : f32
      %div3A_27 = arith.divf %sub3A_26, %div3A : f32
      %swap3A = arith.constant 0 : index
      %swap3A_28 = memref.load %arg3[%swap3A] : memref<1xf32, #tpu.memory_space<smem>>
      memref.store %div3A_27, %arg3[%swap3A] : memref<1xf32, #tpu.memory_space<smem>>
    } else {
    }
    return
  }
  func.func @transform_0(%arg0: i32) -> (i32, i32) {
    %c0_i32 = arith.constant 0 : i32
    %c0_i32_0 = arith.constant 0 : i32
    %c0_i32_1 = arith.constant 0 : i32
    return %c0_i32, %c0_i32_0 : i32, i32
  }
  func.func @transform_1(%arg0: i32) -> (i32, i32) {
    %c0_i32 = arith.constant 0 : i32
    %c0_i32_0 = arith.constant 0 : i32
    return %arg0, %c0_i32 : i32, i32
  }
  func.func @transform_2(%arg0: i32) -> i32 {
    %c0_i32 = arith.constant 0 : i32
    %c0_i32_0 = arith.constant 0 : i32
    return %c0_i32 : i32
  }
}

</mosaic_0001>

<sc_bundles>
// kernel: kernel.4.cloned.1.call-start
scs
__scs_entry_jumppad:
0x0: {  	(pc) =	sbr.rel $0x88, $3  }
0x1: {  	(tag) =	ssettag $0x0;
	lr =	simm.s32 $0x1  }
0x2: {  	[smem:$0x3F9F] =	sst lr;
	_ =	strace $0xD0000000  }
0x3: {  	_ = 	snop  }
0x4: {  	_ = 	snop  }
0x5: {  	_ = 	snop  }
0x6: {  	_ = 	snop  }
0x7: {  	_ = 	snop  }
__scs_overlays_trampoline_lowered:
0x8: {  	[smem:$0x3FAE] =	sst s0  }
0x9: {  	[smem:$0x3FAF] =	sst s1  }
0xa: {  	[smem:$0x3FB0] =	sst s2  }
0xb: {  	[smem:$0x3FB1] =	sst s3  }
0xc: {  	[smem:$0x3FB2] =	sst s4  }
0xd: {  	[smem:$0x3FB3] =	sst s5  }
0xe: {  	[smem:$0x3FB4] =	sst s6  }
0xf: {  	[smem:$0x3FB5] =	sst s7  }
0x10: {  	[smem:$0x3FB6] =	sst s8  }
0x11: {  	[smem:$0x3FB7] =	sst s9;
	s0 =	simm.s32 @!p0 $0x0  }
0x12: {  	s1 =	sld [smem:$0x3F9D];
	s0 =	simm.s32 @p0 $0x1  }
0x13: {  	[smem:$0x3FB8] =	sst s0;
	s0 =	simm.s32 @!p1 $0x0  }
0x14: {  	s2 =	sld [smem:$0x3F9C];
	s0 =	simm.s32 @p1 $0x1  }
0x15: {  	[smem:$0x3FB9] =	sst s0;
	s0 =	simm.s32 @!p2 $0x0  }
0x16: {  	s3 =	sld [smem:$0x3FDB];
	s0 =	simm.s32 @p2 $0x1  }
0x17: {  	s4 =	simm.s32 $0x1BF5;
	[smem:$0x3FBB] =	sst s0  }
0x18: {  	s0 =	sld [smem:$0x3F9E];
	_ =	swait.ge [sflag:s4], $0x0  }
0x19: {  	s7 =	sld [smem:$0x3F9F]  }
0x1a: {  	s8 =	sadd.s32 $0xFFFFE003, lr  }
0x1b: {  	s9 =	sadd.s32 $0xFFFFFEF7, lr;
	s5 =	simm.s32 $0xFFFFFFFF;
	p2 =	slt.u32 s8, $0xFFFFF086  }
0x1c: {  	p1 =	slt.u32 s9, $0xF7A;
	s5 =	simm.s32 @!p2 $0x0  }
0x1d: {  	s5 =	simm.s32 @p1 $0x1;
	p0 =	seq.s32 s7, s2  }
0x1e: {  	s7 =	smul.u32 @!p0 $0xF7A, s2;
	p2 =	seq.s32 @!p0 s5, $0x0  }
0x1f: {  	s9 =	smul.u32 $0xF7A, s1;
	s8 =	simm.s32 @!p0 $0x1BF5;
	p2 =	por !p2, p0  }
0x20: {  	[sflag:s8] =	ssyncset.s32 @!p0 $0xFFFFF086;
	s6 =	sadd.s32 @!p0 s3, s7;
	s7 =	simm.s32 @!p0 $0x108  }
0x21: {  	s3 =	sadd.s32 s3, s9;
	s6 =	sadd.s32 @!p0 $0x88, s6;
	s7 =	simm.s32 @p2 $0x1082  }
0x22: {  	[simem:s7], [sflag:s8] =	dma.local @!p0 [hbm:s6], $0xF7A  }
0x23: {  	s9 =	sor.u32 $0xD0000000, s2;
	s6 =	simm.s32 $0x108;
	_ =	swait.ge @!p0 [sflag:s8], $0x0  }
0x24: {  	s3 =	sadd.s32 $0x88, s3;
	s6 =	simm.s32 @!p1 $0x1082;
	[sflag:s4] =	ssyncset.s32 $0xFFFFF086  }
0x25: {  	[simem:s6], [sflag:s4] =	dma.local [hbm:s3], $0xF7A  }
0x26: {  	[smem:$0x3F9F] =	sst s1;
	(tag) =	ssettag s2;
	_ =	strace s9  }
0x27: {  	s1 =	sld [smem:$0x3FAF]  }
0x28: {  	s2 =	sld [smem:$0x3FB0]  }
0x29: {  	s4 =	sld [smem:$0x3FB2]  }
0x2a: {  	p0 =	seq.s32 s5, $0x0;
	s5 =	sld [smem:$0x3FB3]  }
0x2b: {  	s6 =	sld [smem:$0x3FB4]  }
0x2c: {  	s7 =	sld [smem:$0x3FB5]  }
0x2d: {  	s3 =	simm.s32 $0x108;
	s8 =	sld [smem:$0x3FB6]  }
0x2e: {  	s3 =	simm.s32 @!p0 $0x1082;
	s9 =	sld [smem:$0x3FB7]  }
0x2f: {  	lr =	sadd.s32 s0, s3;
	s0 =	sld [smem:$0x3FAE]  }
0x30: {  	s3 =	sld [smem:$0x3FB1]  }
0x31: {  	[smem:$0x3FBA] =	sst s10  }
0x32: {  	s10 =	sld [smem:$0x3FB8];
	_ =	sdelay $0x3  }
0x33: {  	p0 =	seq.s32 s10, $0x1;
	s10 =	sld [smem:$0x3FBA];
	_ =	sdelay $0x3  }
0x34: {  	[smem:$0x3FBA] =	sst s10  }
0x35: {  	s10 =	sld [smem:$0x3FB9];
	_ =	sdelay $0x3  }
0x36: {  	p1 =	seq.s32 s10, $0x1;
	s10 =	sld [smem:$0x3FBA];
	_ =	sdelay $0x3  }
0x37: {  	[smem:$0x3FBA] =	sst s10  }
0x38: {  	s10 =	sld [smem:$0x3FBB]  }
0x39: {  	_ = 	snop;
	(pc) =	sbr.ind lr, $3  }
0x3a: {  	_ = 	snop  }
0x3b: {  	_ = 	snop  }
0x3c: {  	p2 =	seq.s32 s10, $0x1;
	s10 =	sld [smem:$0x3FBA]  }
0x3d: {  	_ =	shalt  }
0x3e: {  	_ =	shalt  }
0x3f: {  	_ =	shalt  }
0x40: {  	_ =	shalt  }
0x41: {  	_ =	shalt  }
0x42: {  	_ =	shalt  }
0x43: {  	_ =	shalt  }
0x44: {  	_ =	shalt  }
0x45: {  	_ =	shalt  }
0x46: {  	_ =	shalt  }
0x47: {  	_ =	shalt  }
0x48: {  	_ =	shalt  }
0x49: {  	_ =	shalt  }
0x4a: {  	_ =	shalt  }
0x4b: {  	_ =	shalt  }
0x4c: {  	_ =	shalt  }
0x4d: {  	_ =	shalt  }
0x4e: {  	_ =	shalt  }
0x4f: {  	_ =	shalt  }
0x50: {  	_ =	shalt  }
0x51: {  	_ =	shalt  }
0x52: {  	_ =	shalt  }
0x53: {  	_ =	shalt  }
0x54: {  	_ =	shalt  }
0x55: {  	_ =	shalt  }
0x56: {  	_ =	shalt  }
0x57: {  	_ =	shalt  }
0x58: {  	_ =	shalt  }
0x59: {  	_ =	shalt  }
0x5a: {  	_ =	shalt  }
0x5b: {  	_ =	shalt  }
0x5c: {  	_ =	shalt  }
0x5d: {  	_ =	shalt  }
0x5e: {  	_ =	shalt  }
0x5f: {  	_ =	shalt  }
0x60: {  	_ =	shalt  }
0x61: {  	_ =	shalt  }
0x62: {  	_ =	shalt  }
0x63: {  	_ =	shalt  }
0x64: {  	_ =	shalt  }
0x65: {  	_ =	shalt  }
0x66: {  	_ =	shalt  }
0x67: {  	_ =	shalt  }
0x68: {  	_ =	shalt  }
0x69: {  	_ =	shalt  }
0x6a: {  	_ =	shalt  }
0x6b: {  	_ =	shalt  }
0x6c: {  	_ =	shalt  }
0x6d: {  	_ =	shalt  }
0x6e: {  	_ =	shalt  }
0x6f: {  	_ =	shalt  }
0x70: {  	_ =	shalt  }
0x71: {  	_ =	shalt  }
0x72: {  	_ =	shalt  }
0x73: {  	_ =	shalt  }
0x74: {  	_ =	shalt  }
0x75: {  	_ =	shalt  }
0x76: {  	_ =	shalt  }
0x77: {  	_ =	shalt  }
0x78: {  	_ =	shalt  }
0x79: {  	_ =	shalt  }
0x7a: {  	_ =	shalt  }
0x7b: {  	_ =	shalt  }
0x7c: {  	_ =	shalt  }
0x7d: {  	_ =	shalt  }
0x7e: {  	_ =	shalt  }
0x7f: {  	_ =	shalt  }
0x80: {  	_ =	shalt  }
0x81: {  	_ =	shalt  }
0x82: {  	_ =	shalt  }
0x83: {  	_ =	shalt  }
0x84: {  	_ =	shalt  }
0x85: {  	_ =	shalt  }
0x86: {  	_ =	shalt  }
0x87: {  	_ =	shalt  }
.Lfunc_end0:
.L_simem_size_0:
called_computation_lowered:
.L_overlay_start_0:
0x88: {  	s2 =	sld [smem:$0x3FD9]  }
0x89: {  	s3 =	sld [smem:$0x3FFE];
	_ =	sdelay $0x1  }
0x8a: {  	s1 =	srdreg.scid  }
0x8b: {  	s0 =	sand.u32 $0x1, s1  }
0x8c: {  	s18 =	sshll.u32 s0, $0xA;
	s2 =	sadd.s32 s3, s2  }
0x8d: {  	s2 =	sadd.s32 s2, s18  }
0x8e: {  	[smem:$0x3FC6] =	sst s2  }
0x8f: {  	_ = 	snop  }
0x90: {  	s2 =	sld [smem:$0x3FC9]  }
0x91: {  	s19 =	sld [smem:$0x3FC8]  }
0x92: {  	s4 =	sld [smem:$0x3FD0];
	(tm) =	ssettm $0x1  }
0x93: {  	s5 =	sld [smem:$0x3FFB];
	_ =	sdelay $0x3  }
0x94: {  	_ =	strace s5  }
0x95: {  	s5 =	sld [smem:$0x3FFC];
	_ =	sdelay $0x3  }
0x96: {  	_ =	strace s5  }
0x97: {  	s5 =	sld [smem:$0x3FFD];
	_ =	sdelay $0x3  }
0x98: {  	_ =	strace s5  }
0x99: {  	_ =	strace $0x8FFFFFFF  }
0x9a: {  	s20 =	sld [smem:$0x3FDB];
	_ =	sdelay $0x1  }
0x9b: {  	s6 =	simm.s32 $_scs_section_size  }
0x9c: {  	s7 =	simm.s32 $_size__tile_overlayer_lowered;
	s8 =	simm.s32 $_tile_overlayer_lowered  }
0x9d: {  	s23 =	simm.s32 $0x1BFF;
	s22 =	sshll.u32 s8, $0x1;
	s5 =	sadd.s32 s6, s20  }
0x9e: {  	s9 =	simm.s32 $0x0;
	s21 =	sshll.u32 s7, $0x1;
	s7 =	sadd.s32 s22, s5  }
0x9f: {  	[timem:s9], [sflag:s23] =	dma.local [hbm:s7], s21  }
0xa0: {  	_ =	swait.ge [sflag:s23], s21  }
0xa1: {  	s6 =	ssub.s32 $0x0, s21;
	[sflag:s23] =	ssyncset.done $0x0  }
0xa2: {  	[sflag:s23] =	ssyncadd.s32 s6;
	_ =	sdelay $0x1  }
0xa3: {  	s24 =	simm.s32 $0x1B8B  }
0xa4: {  	_ =	swait.ge [sflag:s24], $0x1  }
0xa5: {  	[sflag:s24] =	ssyncset.done $0x0  }
0xa6: {  	s25 =	simm.s32 $0x1B8E;
	[sflag:s24] =	ssyncadd.s32 $0xFFFFFFFF  }
0xa7: {  	s26 =	simm.s32 $execute0_lowered;
	[smem:$0x3FD2] =	sst s25  }
0xa8: {  	s6 =	sshll.u32 s26, $0x1;
	_ =	strace $0x80000046;
	[dreg:$0x1] =	wrdreg $0xFFFFFFFF  }
0xa9: {  	s28 =	simm.s32 $_size_execute0_lowered;
	s5 =	sadd.s32 s5, s6;
	[dreg:$0x0] =	wrdreg $0x0  }
0xaa: {  	s6 =	sshll.u32 s28, $0x1;
	[dreg:$0x2] =	wrdreg s5  }
0xab: {  	[dreg:$0x3] =	wrdreg s6  }
0xac: {  	[dreg:$0x4] =	wrdreg $0xC0  }
0xad: {  	_ =	task [dreg:s9], $0x5FFFF  }
0xae: {  	[dreg:$0x1] =	wrdreg $0xFFFFFFFF  }
0xaf: {  	[dreg:$0x0] =	wrdreg $0x60  }
0xb0: {  	[dreg:$0x2] =	wrdreg s2  }
0xb1: {  	[dreg:$0x3] =	wrdreg s19  }
0xb2: {  	[dreg:$0x4] =	wrdreg s4  }
0xb3: {  	[dreg:$0x5] =	wrdreg $0x9  }
0xb4: {  	_ =	task.clear_ibuf [dreg:s9], $0x6FFFF;
	_ =	strace $0x90000046  }
0xb5: {  	s29 =	simm.s32 $0x9;
	_ =	strace $0x80000048  }
0xb6: {  	_ =	swait.ge [sflag:s29], $0x1  }
0xb7: {  	[sflag:s29] =	ssyncadd.s32 $0xFFFFFFFF  }
0xb8: {  	_ =	strace $0x90000048  }
0xb9: {  	_ =	sfence  }
0xba: {  	s30 =	sld [smem:$0x0];
	_ =	sdelay $0x2  }
0xbb: {  	s31 =	sshll.u32 s1, $0xD;
	s1 =	sshrl.u32 s1, $0x2  }
0xbc: {  	s3 =	sand.u32 $0x4000, s31;
	s1 =	sadd.s32 s1, s30  }
0xbd: {  	s0 =	sor.u32 s3, s0;
	s1 =	sshll.u32 s1, $0x11  }
0xbe: {  	s0 =	sor.u32 s1, s0  }
0xbf: {  	s0 =	sadd.s32 $0x8F2B, s0  }
0xc0: {  	[sflag:s0] =	ssyncadd.remote.s32 $0x1  }
0xc1: {  	_ =	sfence.sel $0xFFFF  }
0xc2: {  	[dreg:$0x0] =	wrdreg $0xFFFFFFFF;
	(pc) =	sbr.abs _section_cstart, $3  }
0xc3: {  	[dreg:$0x1] =	wrdreg $0xFFFFFFFF  }
0xc4: {  	_ =	task.clear_ibuf [dreg:s9], $0x2FFFF;
	_ =	strace $0x9FFFFFFF  }
0xc5: {  	(tm) =	ssettm $0x7FFFFFFF  }
tec
execute0_lowered:
.L_overlay_start_1:
0x0: {  	(tag) =	ssettag $0x1  }
0x1: {  	s1 =	stileid.u32  }
0x2: {  	p0 =	sgt.u32 s1, $0x3  }
.Ltmp0:
0x3: {  	s4 =	rddreg [dreg:$0x0];
	(pc) =	sbr.rel @p0 .LBB2_4-.Ltmp0, $4  }
0x4: {  	s2 =	rddreg [dreg:$0x1]  }
0x5: {  	s10 =	rddreg [dreg:$0x2];
	s3 =	simm.s32 $0x0  }
0x6: {  	[smem:$0x7FF] =	sst s3  }
0x7: {  	s0 =	rddreg [dreg:$0x3];
	_ =	strace $0x80000047  }
0x8: {  	s5 =	srdreg.scid  }
0x9: {  	s31 =	sshll.u32 s1, $0x1;
	s12 =	sand.u32 $0x1, s5  }
0xa: {  	s9 =	sor.u32 s12, s31  }
0xb: {  	s11 =	sshll.u32 s9, $0x1  }
0xc: {  	s5 =	sadd.s32 s4, s11;
	s4 =	simm.s32 $0x2  }
0xd: {  	[tilespmem:s3], [sflag:$0x2] =	stream.linear.gather [hbm4b:s5+s3], $0x10, $0x38;
	[tilespmem:$0x900] =	vst v63  }
0xe: {  	_ =	swait.ge [sflag:s4], $0x10  }
0xf: {  	s6 =	simm.s32 $0x10;
	[sflag:s4] =	ssyncset.done $0x0  }
0x10: {  	s7 =	simm.s32 $0x80;
	s8 =	simm.s32 $0x1;
	[sflag:s4] =	ssyncadd.s32 $0xFFFFFFF0  }
0x11: {  	[tilespmem:s7], [sflag:$0x1] =	stream.indirect.gather [hbm4b:s2+s6], $0x80, s3, s6, $0xb8;
	[tilespmem:$0x900] =	vst v63  }
0x12: {  	_ =	swait.ge [sflag:s8], $0x800  }
0x13: {  	[sflag:s8] =	ssyncset.done $0x0  }
0x14: {  	s9 =	sshll.u32 s9, $0x4;
	[sflag:s8] =	ssyncadd.s32 $0xFFFFF800  }
0x15: {  	v0 =	vld [tilespmem:s9+$0x80]  }
0x16: {  	v1 =	vld [tilespmem:s9+$0x100]  }
0x17: {  	v2 =	vld [tilespmem:s9+$0x180]  }
0x18: {  	v3 =	vld [tilespmem:s9+$0x200]  }
0x19: {  	v4 =	vld [tilespmem:s9+$0x280]  }
0x1a: {  	vm0 =	vmmov $0x1;
	v5 =	vld [tilespmem:s9+$0x300]  }
0x1b: {  	vm1 =	vmmov $0x3;
	v6 =	vld [tilespmem:s9+$0x380];
	v0 =	vsel vm0, v0, v1  }
0x1c: {  	vm2 =	vmmov $0x7;
	v55 =	vld [tilespmem:s9+$0x400];
	v0 =	vsel vm1, v0, v2  }
0x1d: {  	vm3 =	vmmov $0xf;
	v56 =	vld [tilespmem:s9+$0x480];
	v0 =	vsel vm2, v0, v3  }
0x1e: {  	vm4 =	vmmov $0x1f;
	v57 =	vld [tilespmem:s9+$0x500];
	v0 =	vsel vm3, v0, v4  }
0x1f: {  	vm5 =	vmmov $0x3f;
	v58 =	vld [tilespmem:s9+$0x580];
	v0 =	vsel vm4, v0, v5  }
0x20: {  	vm6 =	vmmov $0x7f;
	v59 =	vld [tilespmem:s9+$0x600];
	v0 =	vsel vm5, v0, v6  }
0x21: {  	vm7 =	vmmov $0xff;
	v60 =	vld [tilespmem:s9+$0x680];
	v0 =	vsel vm6, v0, v55  }
0x22: {  	vm8 =	vmmov $0x1ff;
	v61 =	vld [tilespmem:s9+$0x700];
	v0 =	vsel vm7, v0, v56  }
0x23: {  	vm9 =	vmmov $0x3ff;
	v62 =	vld [tilespmem:s9+$0x780];
	v0 =	vsel vm8, v0, v57  }
0x24: {  	vm10 =	vmmov $0x7ff;
	s12 =	ssub.s32 $0x2, s12;
	v63 =	vld [tilespmem:s9+$0x800];
	v0 =	vsel vm9, v0, v58  }
0x25: {  	vm11 =	vmmov $0xfff;
	s13 =	sshrl.u32 s12, $0x1;
	v0 =	vsel vm10, v0, v59  }
0x26: {  	vm12 =	vmmov $0x1fff;
	s12 =	ssub.s32 s12, s13;
	v0 =	vsel vm11, v0, v60  }
0x27: {  	vm13 =	vmmov $0x3fff;
	s12 =	smax.u32 s12, $0x1;
	v0 =	vsel vm12, v0, v61  }
0x28: {  	vm14 =	vmmov $0x7fff;
	p0 =	sne.s32 s12, $0x1;
	v0 =	vsel vm13, v0, v62  }
.Ltmp1:
0x29: {  	v0 =	vsel vm14, v0, v63;
	(pc) =	sbr.rel @!p0 .LBB2_3-.Ltmp1, $3  }
0x2a: {  	v0 =	vadd.f32 $-1.000000010e-01, v0;
	_ =	sdelay $0x1  }
0x2b: {  	s10 =	sadd.s32 s10, s11;
	s11 =	simm.s32 $0x880;
	s12 =	sadd.s32 $0xFFFFFFFF, s12;
	[tilespmem:$0x880] =	vst v0  }
0x2c: {  	[hbm4b:s10+s3] =	stream.linear.scatter [tilespmem:s11], [sflag:$0x2], $0x10, $0x38;
	[tilespmem:$0x900] =	vst v63  }
.LBB2_2:
0x2d: {  	p0 =	sne.s32 s12, $0x1;
	s12 =	sadd.s32 $0xFFFFFFFF, s12;
	_ =	swait.ge [sflag:s4], $0x10  }
0x2e: {  	[sflag:s4] =	ssyncset.done $0x0  }
0x2f: {  	[sflag:s4] =	ssyncadd.s32 $0xFFFFFFF0  }
0x30: {  	[tilespmem:s3], [sflag:$0x2] =	stream.linear.gather [hbm4b:s5+s3], $0x10, $0x38;
	[tilespmem:$0x900] =	vst v63  }
0x31: {  	_ =	swait.ge [sflag:s4], $0x10  }
0x32: {  	[sflag:s4] =	ssyncset.done $0x0  }
0x33: {  	[sflag:s4] =	ssyncadd.s32 $0xFFFFFFF0  }
0x34: {  	[tilespmem:s7], [sflag:$0x1] =	stream.indirect.gather [hbm4b:s2+s6], $0x80, s3, s6, $0xb8;
	[tilespmem:$0x900] =	vst v63  }
0x35: {  	_ =	swait.ge [sflag:s8], $0x800  }
0x36: {  	[sflag:s8] =	ssyncset.done $0x0  }
0x37: {  	[sflag:s8] =	ssyncadd.s32 $0xFFFFF800  }
0x38: {  	v0 =	vld [tilespmem:s9+$0x180]  }
0x39: {  	v1 =	vld [tilespmem:s9+$0x80]  }
0x3a: {  	v2 =	vld [tilespmem:s9+$0x100]  }
0x3b: {  	v3 =	vld [tilespmem:s9+$0x200]  }
0x3c: {  	v4 =	vld [tilespmem:s9+$0x280]  }
0x3d: {  	v5 =	vld [tilespmem:s9+$0x300]  }
0x3e: {  	v6 =	vld [tilespmem:s9+$0x380]  }
0x3f: {  	v1 =	vsel vm0, v1, v2;
	v2 =	vld [tilespmem:s9+$0x400]  }
0x40: {  	v0 =	vsel vm1, v1, v0;
	v1 =	vld [tilespmem:s9+$0x480]  }
0x41: {  	v0 =	vsel vm2, v0, v3;
	v3 =	vld [tilespmem:s9+$0x500]  }
0x42: {  	v0 =	vsel vm3, v0, v4;
	v4 =	vld [tilespmem:s9+$0x580]  }
0x43: {  	v0 =	vsel vm4, v0, v5;
	v5 =	vld [tilespmem:s9+$0x600]  }
0x44: {  	v0 =	vsel vm5, v0, v6;
	v6 =	vld [tilespmem:s9+$0x680]  }
0x45: {  	v0 =	vsel vm6, v0, v2;
	v2 =	vld [tilespmem:s9+$0x700]  }
0x46: {  	v0 =	vsel vm7, v0, v1;
	v1 =	vld [tilespmem:s9+$0x780]  }
0x47: {  	v0 =	vsel vm8, v0, v3;
	v3 =	vld [tilespmem:s9+$0x800]  }
0x48: {  	v0 =	vsel vm9, v0, v4  }
0x49: {  	v0 =	vsel vm10, v0, v5  }
0x4a: {  	v0 =	vsel vm11, v0, v6  }
0x4b: {  	v0 =	vsel vm12, v0, v2  }
0x4c: {  	v0 =	vsel vm13, v0, v1  }
.Ltmp2:
0x4d: {  	v0 =	vsel vm14, v0, v3;
	(pc) =	sbr.rel @p0 .LBB2_2-.Ltmp2, $3  }
0x4e: {  	v0 =	vadd.f32 $-1.000000010e-01, v0;
	_ =	sdelay $0x1  }
0x4f: {  	[tilespmem:$0x880] =	vst v0  }
0x50: {  	[hbm4b:s10+s3] =	stream.linear.scatter [tilespmem:s11], [sflag:$0x2], $0x10, $0x38;
	[tilespmem:$0x900] =	vst v63  }
.LBB2_3:
0x51: {  	_ =	swait.ge [sflag:s4], $0x10  }
0x52: {  	[sflag:s4] =	ssyncset.done $0x0  }
0x53: {  	[sflag:s4] =	ssyncadd.s32 $0xFFFFFFF0  }
.LBB2_4:
0x54: {  	_ =	sfence.sel $0x180000  }
0x55: {  	[bflag:$0x0] =	sbarrier.arrive $0xFFFF  }
0x56: {  	p0 =	sne.s32 s1, $0x0;
	_ =	strace $0x90000047  }
0x57: {  	s0 =	sadd.s32 @!p0 $0x100000, s0;
	[bflag:$0x2] =	sbarrier.arrive $0xFFFF  }
0x58: {  	[sflag:s0] =	ssyncadd.tile.s32 @!p0 $0x1;
	_ =	shalt  }
.Lfunc_end2:
_tile_overlayer_lowered:
.L_overlay_start_2:
0x59: {  	(tag) =	ssettag $0x2  }
0x5a: {  	s0 =	rddreg [dreg:$0x0];
	s2 =	stileid.u32  }
0x5b: {  	s1 =	rddreg [dreg:$0x1];
	p0 =	sne.s32 s2, $0x0  }
0x5c: {  	s3 =	rddreg [dreg:$0x2];
	[bflag:$0x3] =	sbarrier.arrive $0xFFFF;
	s2 =	simm.s32 @!p0 $0x1C02  }
0x5d: {  	[timem:s3], [sflag:s2] =	dma.local @!p0 [hbm:s0], s1  }
0x5e: {  	s0 =	simm.s32 @!p0 $0x2  }
0x5f: {  	_ =	swait.ge @!p0 [sflag:s0], s1  }
0x60: {  	s1 =	ssub.s32 @!p0 $0x0, s1;
	[sflag:s0] =	ssyncset.done @!p0 $0x0  }
0x61: {  	[sflag:s0] =	ssyncadd.s32 @!p0 s1  }
0x62: {  	[bflag:$0x3] =	sbarrier.arrive $0xFFFF  }
0x63: {  	_ =	shalt  }

</sc_bundles>
